<compile_context>
chip_gen: v7x
topology: tpu7x:2x2x1
jax: 0.10.2.dev20260603
libtpu: 0.0.44.dev20260713+nightly
codegen_flags: <defaults>
</compile_context>

<pallas_src>
import functools

import jax
import jax.numpy as jnp
from jax import lax
from jax.experimental import pallas as pl
from jax.experimental.pallas import tpu as pltpu
from jax.experimental.pallas import tpu_sc as plsc

B = 4096
F = 256
H = 1024
IPN = 16

NC = 2
NS = 16
NW = NC * NS
HPW = H // NW

BB = 512


def _build_w_sc(idxt_hbm, w1t_hbm, w_hbm, idx_v, w1_v, w_v, sem0, sem1):
    wid = lax.axis_index("s") * NC + lax.axis_index("c")
    h0 = wid * HPW

    slab0 = (h0 // 128) * 128
    cp_idx = pltpu.async_copy(idxt_hbm.at[:, pl.ds(slab0, 128)], idx_v, sem0)
    cp_w1 = pltpu.async_copy(w1t_hbm.at[:, pl.ds(slab0, 128)], w1_v, sem1)
    cp_idx.wait()
    cp_w1.wait()
    lh0 = h0 % 128

    zeros = jnp.zeros((16,), jnp.float32)
    lanes = lax.iota(jnp.int32, 16)

    def body(h, carry):
        for c in range(F // 16):
            w_v[h, pl.ds(c * 16, 16)] = zeros
        hvec = jnp.full((16,), h, jnp.int32)
        hslab = jnp.full((16,), lh0 + h, jnp.int32)
        cols = plsc.load_gather(idx_v, [lanes, hslab])
        vals = plsc.load_gather(w1_v, [lanes, hslab])
        plsc.store_scatter(w_v, [hvec, cols], vals)
        return carry

    lax.fori_loop(0, HPW, body, 0)

    pltpu.sync_copy(w_v, w_hbm.at[pl.ds(h0, HPW)])


_sc_build_w = functools.partial(
    pl.kernel,
    out_type=jax.ShapeDtypeStruct((H, F), jnp.float32),
    mesh=plsc.VectorSubcoreMesh(core_axis_name="c", subcore_axis_name="s"),
    compiler_params=pltpu.CompilerParams(
        use_tc_tiling_on_sc=True, needs_layout_passes=False
    ),
    scratch_types=[
        pltpu.VMEM((IPN, 128), jnp.int32),
        pltpu.VMEM((IPN, 128), jnp.float32),
        pltpu.VMEM((HPW, F), jnp.float32),
        pltpu.SemaphoreType.DMA,
        pltpu.SemaphoreType.DMA,
    ],
)(_build_w_sc)


def _mlp_tc(x_ref, w_ref, b1_ref, w2_ref, b2_ref, out_ref):
    x = x_ref[...]
    w = w_ref[...]
    pre = lax.dot_general(
        x, w,
        (((1,), (1,)), ((), ())),
        preferred_element_type=jnp.float32,
        precision=lax.Precision.DEFAULT,
    )
    hidden = jnp.tanh(pre + b1_ref[...])
    out2 = jnp.sum(hidden * w2_ref[...], axis=1)
    out_ref[...] = jnp.tanh(out2 + b2_ref[0, 0])


def kernel(x, input_indices, w1, b1, w2, b2):
    w_dense = _sc_build_w(input_indices.T, w1.T)

    b1_2d = b1.reshape(1, H)
    b2_2d = b2.reshape(1, 1)

    out = pl.pallas_call(
        _mlp_tc,
        grid=(B // BB,),
        in_specs=[
            pl.BlockSpec((BB, F), lambda i: (i, 0)),
            pl.BlockSpec((H, F), lambda i: (0, 0)),
            pl.BlockSpec((1, H), lambda i: (0, 0)),
            pl.BlockSpec((1, H), lambda i: (0, 0)),
            pl.BlockSpec(memory_space=pltpu.SMEM),
        ],
        out_specs=pl.BlockSpec((BB,), lambda i: (i,)),
        out_shape=jax.ShapeDtypeStruct((B,), jnp.float32),
    )(x, w_dense, b1_2d, w2, b2_2d)

    return out

# --- scband reference (transcript-rebuilt; emitter-appended) ---
"""Pipeline reference for scband-ultra-sparse-model-32590211842697 (READ-ONLY COPY).

The authoritative reference and input builder live on the scoring server;
editing this copy changes nothing except your own understanding.
"""

import jax, jax.numpy as jnp
import numpy as np

B = 4096
F = 256
H = 1024
IPN = 16


def setup_inputs(seed: int = 0) -> dict:
    key = jax.random.key(seed)
    k1, k2, k3 = jax.random.split(key, 3)
    x = jax.random.normal(k1, (B, F), dtype=jnp.float32)
    # mimic torch.randperm(256)[:IPN] per hidden neuron: distinct indices per row
    rs = np.random.RandomState(7)
    idx = np.stack([rs.permutation(F)[:IPN] for _ in range(H)]).astype(np.int32)
    input_indices = jnp.asarray(idx)
    w1 = (jax.random.normal(k2, (H, IPN), dtype=jnp.float32) * np.sqrt(2.0 / IPN)).astype(jnp.float32)
    b1 = jnp.zeros((H,), dtype=jnp.float32)
    w2 = (jax.random.normal(k3, (1, H), dtype=jnp.float32) * np.sqrt(2.0 / H)).astype(jnp.float32)
    b2 = jnp.zeros((1,), dtype=jnp.float32)
    return {"x": x, "input_indices": input_indices, "w1": w1, "b1": b1, "w2": w2, "b2": b2}


def reference(x, input_indices, w1, b1, w2, b2):
    # selected[b, h, j] = x[b, input_indices[h, j]]  -> gather along feature axis
    selected = jnp.take(x, input_indices, axis=1)  # [B, H, IPN]
    pre_act = jnp.sum(selected * w1[None, :, :], axis=2) + b1  # [B, H]
    hidden = jnp.tanh(pre_act)
    output = jnp.tanh(hidden @ w2.T + b2)  # [B, 1]
    return output.squeeze(-1)

if __name__ == "__main__":
    import jax
    _d = setup_inputs()
    print(jax.jit(kernel)(*tuple(_d.values())))

</pallas_src>

<mosaic_0001>
#map = affine_map<(d0, d1) -> (0, 0)>
module attributes {stable_mosaic.version = 14 : i64} {
  func.func @_build_w_sc(%arg0: i32, %arg1: i32, %arg2: memref<16x1024xi32, #tpu.memory_space<hbm>>, %arg3: memref<16x1024xf32, #tpu.memory_space<hbm>>, %arg4: memref<1024x256xf32, #tpu.memory_space<hbm>>, %arg5: memref<16x128xi32, #tpu.memory_space<vmem>>, %arg6: memref<16x128xf32, #tpu.memory_space<vmem>>, %arg7: memref<32x256xf32, #tpu.memory_space<vmem>>, %arg8: memref<!tpu.dma_semaphore, #tpu.memory_space<semaphore_mem>>, %arg9: memref<!tpu.dma_semaphore, #tpu.memory_space<semaphore_mem>>) attributes {dimension_semantics = [#tpu.dimension_semantics<core_parallel>, #tpu.dimension_semantics<subcore_parallel>], iteration_bounds = array<i64: 2, 16>, scalar_prefetch = 0 : i64, scratch_operands = 5 : i64, tpu.core_type = #tpu.core_type<sc_vector_subcore>, window_params = [{transform_indices = #map}, {transform_indices = #map}, {transform_indices = #map}]} {
    %mul3A = arith.constant 2 : i32
    %mul3A_0 = arith.muli %arg1, %mul3A : i32
    %add3A = arith.addi %mul3A_0, %arg0 : i32
    %mul3A_1 = arith.constant 32 : i32
    %mul3A_2 = arith.muli %add3A, %mul3A_1 : i32
    %jit3A = arith.constant 128 : i32
    %div3A = arith.divsi %mul3A_2, %jit3A : i32
    %sign3A = arith.constant 0 : i32
    %sign3A_3 = arith.cmpi sgt, %mul3A_2, %sign3A : i32
    %sign3A_4 = arith.extui %sign3A_3 : i1 to i32
    %sign3A_5 = arith.constant 0 : i32
    %sign3A_6 = arith.cmpi slt, %mul3A_2, %sign3A_5 : i32
    %sign3A_7 = arith.extui %sign3A_6 : i1 to i32
    %sign3A_8 = arith.subi %sign3A_4, %sign3A_7 : i32
    %sign3A_9 = arith.constant 0 : i32
    %sign3A_10 = arith.cmpi sgt, %jit3A, %sign3A_9 : i32
    %sign3A_11 = arith.extui %sign3A_10 : i1 to i32
    %sign3A_12 = arith.constant 0 : i32
    %sign3A_13 = arith.cmpi slt, %jit3A, %sign3A_12 : i32
    %sign3A_14 = arith.extui %sign3A_13 : i1 to i32
    %sign3A_15 = arith.subi %sign3A_11, %sign3A_14 : i32
    %ne3A = arith.cmpi ne, %sign3A_8, %sign3A_15 : i32
    %rem3A = arith.remsi %mul3A_2, %jit3A : i32
    %ne3A_16 = arith.constant 0 : i32
    %ne3A_17 = arith.cmpi ne, %rem3A, %ne3A_16 : i32
    %and3A = arith.andi %ne3A, %ne3A_17 : i1
    %sub3A = arith.constant 1 : i32
    %sub3A_18 = arith.subi %div3A, %sub3A : i32
    %select_n3A = arith.select %and3A, %sub3A_18, %div3A : i32
    %mul3A_19 = arith.constant 128 : i32
    %mul3A_20 = arith.muli %select_n3A, %mul3A_19 : i32
    %dma_start3A = arith.constant 0 : i32
    %dma_start3A_21 = tpu.memref_slice %arg2[%dma_start3A, %mul3A_20] : memref<16x1024xi32, #tpu.memory_space<hbm>> -> memref<16x128xi32, #tpu.memory_space<hbm>>
    %dma_start3A_22 = arith.constant 0 : i32
    %dma_start3A_23 = tpu.memref_slice %arg2[%dma_start3A_22, %mul3A_20] : memref<16x1024xi32, #tpu.memory_space<hbm>> -> memref<16x128xi32, #tpu.memory_space<hbm>>
    tpu.enqueue_dma source(%dma_start3A_23 : memref<16x128xi32, #tpu.memory_space<hbm>>) target(%arg5 : memref<16x128xi32, #tpu.memory_space<vmem>>) target_semaphore(%arg8 : memref<!tpu.dma_semaphore, #tpu.memory_space<semaphore_mem>>)
    %dma_start3A_24 = arith.constant 0 : i32
    %dma_start3A_25 = tpu.memref_slice %arg3[%dma_start3A_24, %mul3A_20] : memref<16x1024xf32, #tpu.memory_space<hbm>> -> memref<16x128xf32, #tpu.memory_space<hbm>>
    %dma_start3A_26 = arith.constant 0 : i32
    %dma_start3A_27 = tpu.memref_slice %arg3[%dma_start3A_26, %mul3A_20] : memref<16x1024xf32, #tpu.memory_space<hbm>> -> memref<16x128xf32, #tpu.memory_space<hbm>>
    tpu.enqueue_dma source(%dma_start3A_27 : memref<16x128xf32, #tpu.memory_space<hbm>>) target(%arg6 : memref<16x128xf32, #tpu.memory_space<vmem>>) target_semaphore(%arg9 : memref<!tpu.dma_semaphore, #tpu.memory_space<semaphore_mem>>)
    %dma_wait3A = arith.constant 0 : i32
    %dma_wait3A_28 = tpu.memref_slice %arg2[%dma_wait3A, %mul3A_20] : memref<16x1024xi32, #tpu.memory_space<hbm>> -> memref<16x128xi32, #tpu.memory_space<hbm>>
    %dma_wait3A_29 = arith.constant 0 : i32
    %dma_wait3A_30 = tpu.memref_slice %arg2[%dma_wait3A_29, %mul3A_20] : memref<16x1024xi32, #tpu.memory_space<hbm>> -> memref<16x128xi32, #tpu.memory_space<hbm>>
    tpu.wait_dma2 semaphore(%arg8 : memref<!tpu.dma_semaphore, #tpu.memory_space<semaphore_mem>>) src(%dma_wait3A_30 : memref<16x128xi32, #tpu.memory_space<hbm>>) dst(%arg5 : memref<16x128xi32, #tpu.memory_space<vmem>>)
    %dma_wait3A_31 = arith.constant 0 : i32
    %dma_wait3A_32 = tpu.memref_slice %arg3[%dma_wait3A_31, %mul3A_20] : memref<16x1024xf32, #tpu.memory_space<hbm>> -> memref<16x128xf32, #tpu.memory_space<hbm>>
    %dma_wait3A_33 = arith.constant 0 : i32
    %dma_wait3A_34 = tpu.memref_slice %arg3[%dma_wait3A_33, %mul3A_20] : memref<16x1024xf32, #tpu.memory_space<hbm>> -> memref<16x128xf32, #tpu.memory_space<hbm>>
    tpu.wait_dma2 semaphore(%arg9 : memref<!tpu.dma_semaphore, #tpu.memory_space<semaphore_mem>>) src(%dma_wait3A_34 : memref<16x128xf32, #tpu.memory_space<hbm>>) dst(%arg6 : memref<16x128xf32, #tpu.memory_space<vmem>>)
    %jit3A_35 = arith.constant 128 : i32
    %eq3A = arith.constant 0 : i32
    %eq3A_36 = arith.cmpi eq, %jit3A_35, %eq3A : i32
    %jit3A_37 = arith.constant 1 : i32
    %select_n3A_38 = arith.select %eq3A_36, %jit3A_37, %jit3A_35 : i32
    %rem3A_39 = arith.remsi %mul3A_2, %select_n3A_38 : i32
    %ne3A_40 = arith.constant 0 : i32
    %ne3A_41 = arith.cmpi ne, %rem3A_39, %ne3A_40 : i32
    %lt3A = arith.constant 0 : i32
    %lt3A_42 = arith.cmpi slt, %rem3A_39, %lt3A : i32
    %lt3A_43 = arith.constant 0 : i32
    %lt3A_44 = arith.cmpi slt, %select_n3A_38, %lt3A_43 : i32
    %ne3A_45 = arith.xori %lt3A_42, %lt3A_44 : i1
    %and3A_46 = arith.andi %ne3A_45, %ne3A_41 : i1
    %add3A_47 = arith.addi %rem3A_39, %select_n3A_38 : i32
    %select_n3A_48 = arith.select %and3A_46, %add3A_47, %rem3A_39 : i32
    %broadcast_in_dim3A = arith.constant 0.000000e+00 : f32
    %broadcast_in_dim3A_49 = vector.broadcast %broadcast_in_dim3A : f32 to vector<16xf32>
    %iota3A = tpu.iota {dimensions = array<i32: 0>} : vector<16xi32>
    %scan3A = arith.constant 0 : i32
    %scan3A_50 = arith.constant 0 : i32
    %scan3A_51 = arith.constant 32 : i32
    %scan3A_52 = arith.addi %scan3A_50, %scan3A_51 : i32
    %scan3A_53 = arith.constant 1 : i32
    scf.for %scan3A_55 = %scan3A_50 to %scan3A_52 step %scan3A_53  : i32 {
      %swap3A = arith.index_cast %scan3A_55 : i32 to index
      %swap3A_56 = arith.constant 0 : index
      %swap3A_57 = tpu.vector_load %arg7[%swap3A, %swap3A_56] {strides = array<i32>} : memref<32x256xf32, #tpu.memory_space<vmem>>, vector<16xf32>,
      tpu.vector_store %arg7[%swap3A, %swap3A_56], %broadcast_in_dim3A_49 {strides = array<i32>} : memref<32x256xf32, #tpu.memory_space<vmem>>, vector<16xf32>,
      %swap3A_58 = arith.index_cast %scan3A_55 : i32 to index
      %swap3A_59 = arith.constant 16 : index
      %swap3A_60 = tpu.vector_load %arg7[%swap3A_58, %swap3A_59] {strides = array<i32>} : memref<32x256xf32, #tpu.memory_space<vmem>>, vector<16xf32>,
      tpu.vector_store %arg7[%swap3A_58, %swap3A_59], %broadcast_in_dim3A_49 {strides = array<i32>} : memref<32x256xf32, #tpu.memory_space<vmem>>, vector<16xf32>,
      %swap3A_61 = arith.index_cast %scan3A_55 : i32 to index
      %swap3A_62 = arith.constant 32 : index
      %swap3A_63 = tpu.vector_load %arg7[%swap3A_61, %swap3A_62] {strides = array<i32>} : memref<32x256xf32, #tpu.memory_space<vmem>>, vector<16xf32>,
      tpu.vector_store %arg7[%swap3A_61, %swap3A_62], %broadcast_in_dim3A_49 {strides = array<i32>} : memref<32x256xf32, #tpu.memory_space<vmem>>, vector<16xf32>,
      %swap3A_64 = arith.index_cast %scan3A_55 : i32 to index
      %swap3A_65 = arith.constant 48 : index
      %swap3A_66 = tpu.vector_load %arg7[%swap3A_64, %swap3A_65] {strides = array<i32>} : memref<32x256xf32, #tpu.memory_space<vmem>>, vector<16xf32>,
      tpu.vector_store %arg7[%swap3A_64, %swap3A_65], %broadcast_in_dim3A_49 {strides = array<i32>} : memref<32x256xf32, #tpu.memory_space<vmem>>, vector<16xf32>,
      %swap3A_67 = arith.index_cast %scan3A_55 : i32 to index
      %swap3A_68 = arith.constant 64 : index
      %swap3A_69 = tpu.vector_load %arg7[%swap3A_67, %swap3A_68] {strides = array<i32>} : memref<32x256xf32, #tpu.memory_space<vmem>>, vector<16xf32>,
      tpu.vector_store %arg7[%swap3A_67, %swap3A_68], %broadcast_in_dim3A_49 {strides = array<i32>} : memref<32x256xf32, #tpu.memory_space<vmem>>, vector<16xf32>,
      %swap3A_70 = arith.index_cast %scan3A_55 : i32 to index
      %swap3A_71 = arith.constant 80 : index
      %swap3A_72 = tpu.vector_load %arg7[%swap3A_70, %swap3A_71] {strides = array<i32>} : memref<32x256xf32, #tpu.memory_space<vmem>>, vector<16xf32>,
      tpu.vector_store %arg7[%swap3A_70, %swap3A_71], %broadcast_in_dim3A_49 {strides = array<i32>} : memref<32x256xf32, #tpu.memory_space<vmem>>, vector<16xf32>,
      %swap3A_73 = arith.index_cast %scan3A_55 : i32 to index
      %swap3A_74 = arith.constant 96 : index
      %swap3A_75 = tpu.vector_load %arg7[%swap3A_73, %swap3A_74] {strides = array<i32>} : memref<32x256xf32, #tpu.memory_space<vmem>>, vector<16xf32>,
      tpu.vector_store %arg7[%swap3A_73, %swap3A_74], %broadcast_in_dim3A_49 {strides = array<i32>} : memref<32x256xf32, #tpu.memory_space<vmem>>, vector<16xf32>,
      %swap3A_76 = arith.index_cast %scan3A_55 : i32 to index
      %swap3A_77 = arith.constant 112 : index
      %swap3A_78 = tpu.vector_load %arg7[%swap3A_76, %swap3A_77] {strides = array<i32>} : memref<32x256xf32, #tpu.memory_space<vmem>>, vector<16xf32>,
      tpu.vector_store %arg7[%swap3A_76, %swap3A_77], %broadcast_in_dim3A_49 {strides = array<i32>} : memref<32x256xf32, #tpu.memory_space<vmem>>, vector<16xf32>,
      %swap3A_79 = arith.index_cast %scan3A_55 : i32 to index
      %swap3A_80 = arith.constant 128 : index
      %swap3A_81 = tpu.vector_load %arg7[%swap3A_79, %swap3A_80] {strides = array<i32>} : memref<32x256xf32, #tpu.memory_space<vmem>>, vector<16xf32>,
      tpu.vector_store %arg7[%swap3A_79, %swap3A_80], %broadcast_in_dim3A_49 {strides = array<i32>} : memref<32x256xf32, #tpu.memory_space<vmem>>, vector<16xf32>,
      %swap3A_82 = arith.index_cast %scan3A_55 : i32 to index
      %swap3A_83 = arith.constant 144 : index
      %swap3A_84 = tpu.vector_load %arg7[%swap3A_82, %swap3A_83] {strides = array<i32>} : memref<32x256xf32, #tpu.memory_space<vmem>>, vector<16xf32>,
      tpu.vector_store %arg7[%swap3A_82, %swap3A_83], %broadcast_in_dim3A_49 {strides = array<i32>} : memref<32x256xf32, #tpu.memory_space<vmem>>, vector<16xf32>,
      %swap3A_85 = arith.index_cast %scan3A_55 : i32 to index
      %swap3A_86 = arith.constant 160 : index
      %swap3A_87 = tpu.vector_load %arg7[%swap3A_85, %swap3A_86] {strides = array<i32>} : memref<32x256xf32, #tpu.memory_space<vmem>>, vector<16xf32>,
      tpu.vector_store %arg7[%swap3A_85, %swap3A_86], %broadcast_in_dim3A_49 {strides = array<i32>} : memref<32x256xf32, #tpu.memory_space<vmem>>, vector<16xf32>,
      %swap3A_88 = arith.index_cast %scan3A_55 : i32 to index
      %swap3A_89 = arith.constant 176 : index
      %swap3A_90 = tpu.vector_load %arg7[%swap3A_88, %swap3A_89] {strides = array<i32>} : memref<32x256xf32, #tpu.memory_space<vmem>>, vector<16xf32>,
      tpu.vector_store %arg7[%swap3A_88, %swap3A_89], %broadcast_in_dim3A_49 {strides = array<i32>} : memref<32x256xf32, #tpu.memory_space<vmem>>, vector<16xf32>,
      %swap3A_91 = arith.index_cast %scan3A_55 : i32 to index
      %swap3A_92 = arith.constant 192 : index
      %swap3A_93 = tpu.vector_load %arg7[%swap3A_91, %swap3A_92] {strides = array<i32>} : memref<32x256xf32, #tpu.memory_space<vmem>>, vector<16xf32>,
      tpu.vector_store %arg7[%swap3A_91, %swap3A_92], %broadcast_in_dim3A_49 {strides = array<i32>} : memref<32x256xf32, #tpu.memory_space<vmem>>, vector<16xf32>,
      %swap3A_94 = arith.index_cast %scan3A_55 : i32 to index
      %swap3A_95 = arith.constant 208 : index
      %swap3A_96 = tpu.vector_load %arg7[%swap3A_94, %swap3A_95] {strides = array<i32>} : memref<32x256xf32, #tpu.memory_space<vmem>>, vector<16xf32>,
      tpu.vector_store %arg7[%swap3A_94, %swap3A_95], %broadcast_in_dim3A_49 {strides = array<i32>} : memref<32x256xf32, #tpu.memory_space<vmem>>, vector<16xf32>,
      %swap3A_97 = arith.index_cast %scan3A_55 : i32 to index
      %swap3A_98 = arith.constant 224 : index
      %swap3A_99 = tpu.vector_load %arg7[%swap3A_97, %swap3A_98] {strides = array<i32>} : memref<32x256xf32, #tpu.memory_space<vmem>>, vector<16xf32>,
      tpu.vector_store %arg7[%swap3A_97, %swap3A_98], %broadcast_in_dim3A_49 {strides = array<i32>} : memref<32x256xf32, #tpu.memory_space<vmem>>, vector<16xf32>,
      %swap3A_100 = arith.index_cast %scan3A_55 : i32 to index
      %swap3A_101 = arith.constant 240 : index
      %swap3A_102 = tpu.vector_load %arg7[%swap3A_100, %swap3A_101] {strides = array<i32>} : memref<32x256xf32, #tpu.memory_space<vmem>>, vector<16xf32>,
      tpu.vector_store %arg7[%swap3A_100, %swap3A_101], %broadcast_in_dim3A_49 {strides = array<i32>} : memref<32x256xf32, #tpu.memory_space<vmem>>, vector<16xf32>,
      %broadcast_in_dim3A_103 = vector.broadcast %scan3A_55 : i32 to vector<16xi32>
      %add3A_104 = arith.addi %select_n3A_48, %scan3A_55 : i32
      %broadcast_in_dim3A_105 = vector.broadcast %add3A_104 : i32 to vector<16xi32>
      %gather3A = tpu.vector_load_idx %arg5[%iota3A, %broadcast_in_dim3A_105] : memref<16x128xi32, #tpu.memory_space<vmem>>[vector<16xi32>, vector<16xi32>], vector<16xi32>,
      %gather3A_106 = tpu.vector_load_idx %arg6[%iota3A, %broadcast_in_dim3A_105] : memref<16x128xf32, #tpu.memory_space<vmem>>[vector<16xi32>, vector<16xi32>], vector<16xf32>,
      tpu.vector_store_idx %arg7[%broadcast_in_dim3A_103, %gather3A], %gather3A_106 : memref<32x256xf32, #tpu.memory_space<vmem>>[vector<16xi32>, vector<16xi32>], vector<16xf32>,
    }
    %scan3A_54 = arith.constant 32 : i32
    "tpu.region"() ({
      %run_scoped3A = tpu.sem_alloc : memref<!tpu.dma_semaphore, #tpu.memory_space<semaphore_mem>>
      %dma_start3A_55 = arith.constant 0 : i32
      %dma_start3A_56 = tpu.memref_slice %arg4[%mul3A_2, %dma_start3A_55] : memref<1024x256xf32, #tpu.memory_space<hbm>> -> memref<32x256xf32, #tpu.memory_space<hbm>>
      %dma_start3A_57 = arith.constant 0 : i32
      %dma_start3A_58 = tpu.memref_slice %arg4[%mul3A_2, %dma_start3A_57] : memref<1024x256xf32, #tpu.memory_space<hbm>> -> memref<32x256xf32, #tpu.memory_space<hbm>>
      tpu.enqueue_dma source(%arg7 : memref<32x256xf32, #tpu.memory_space<vmem>>) target(%dma_start3A_58 : memref<32x256xf32, #tpu.memory_space<hbm>>) target_semaphore(%run_scoped3A : memref<!tpu.dma_semaphore, #tpu.memory_space<semaphore_mem>>)
      %dma_wait3A_59 = arith.constant 0 : i32
      %dma_wait3A_60 = tpu.memref_slice %arg4[%mul3A_2, %dma_wait3A_59] : memref<1024x256xf32, #tpu.memory_space<hbm>> -> memref<32x256xf32, #tpu.memory_space<hbm>>
      %dma_wait3A_61 = arith.constant 0 : i32
      %dma_wait3A_62 = tpu.memref_slice %arg4[%mul3A_2, %dma_wait3A_61] : memref<1024x256xf32, #tpu.memory_space<hbm>> -> memref<32x256xf32, #tpu.memory_space<hbm>>
      tpu.wait_dma2 semaphore(%run_scoped3A : memref<!tpu.dma_semaphore, #tpu.memory_space<semaphore_mem>>) src(%arg7 : memref<32x256xf32, #tpu.memory_space<vmem>>) dst(%dma_wait3A_62 : memref<32x256xf32, #tpu.memory_space<hbm>>)
      tpu.yield
    }) : () -> ()
    return
  }
}

module attributes {stable_mosaic.version = 14 : i64} {
  func.func @_mlp_tc(%arg0: i32, %arg1: memref<512x256xf32, #tpu.memory_space<vmem>>, %arg2: memref<1024x256xf32, #tpu.memory_space<vmem>>, %arg3: memref<1x1024xf32, #tpu.memory_space<vmem>>, %arg4: memref<1x1024xf32, #tpu.memory_space<vmem>>, %arg5: memref<1x1xf32, #tpu.memory_space<smem>>, %arg6: memref<512xf32, #tpu.memory_space<vmem>>) attributes {dimension_semantics = [#tpu.dimension_semantics<arbitrary>], iteration_bounds = array<i64: 8>, scalar_prefetch = 0 : i64, scratch_operands = 0 : i64, tpu.core_type = #tpu.core_type<tc>, window_params = [{transform_indices = @transform_0, window_bounds = array<i64: 512, 256>}, {pipeline_mode = #tpu.pipeline_mode<synchronous>, transform_indices = @transform_1, window_bounds = array<i64: 1024, 256>}, {pipeline_mode = #tpu.pipeline_mode<synchronous>, transform_indices = @transform_2, window_bounds = array<i64: 1, 1024>}, {pipeline_mode = #tpu.pipeline_mode<synchronous>, transform_indices = @transform_3, window_bounds = array<i64: 1, 1024>}, {transform_indices = @transform_4, window_bounds = array<i64: 1, 1>}, {transform_indices = @transform_5, window_bounds = array<i64: 512>}]} {
    %get3A = arith.constant 0 : index
    %get3A_0 = arith.constant 0 : index
    %get3A_1 = vector.load %arg1[%get3A, %get3A_0] : memref<512x256xf32, #tpu.memory_space<vmem>>, vector<512x256xf32>
    %get3A_2 = arith.constant 0 : index
    %get3A_3 = arith.constant 0 : index
    %get3A_4 = vector.load %arg2[%get3A_2, %get3A_3] : memref<1024x256xf32, #tpu.memory_space<vmem>>, vector<1024x256xf32>
    %dot_general3A = arith.constant dense<0.000000e+00> : vector<512x1024xf32>
    %dot_general3A_5 = tpu.matmul %get3A_1, %get3A_4, %dot_general3A {dimension_numbers = #tpu.dot_dimension_numbers<[1], [1], [0], [0], [0, 0, 1, 0], [], []>, transpose_lhs_hint = false} : vector<512x256xf32>, vector<1024x256xf32>, vector<512x1024xf32> -> vector<512x1024xf32>
    %get3A_6 = arith.constant 0 : index
    %get3A_7 = arith.constant 0 : index
    %get3A_8 = vector.load %arg3[%get3A_6, %get3A_7] : memref<1x1024xf32, #tpu.memory_space<vmem>>, vector<1x1024xf32>
    %add3A = vector.broadcast %get3A_8 : vector<1x1024xf32> to vector<512x1024xf32>
    %add3A_9 = arith.addf %dot_general3A_5, %add3A : vector<512x1024xf32>
    %tanh3A = math.tanh %add3A_9 : vector<512x1024xf32>
    %get3A_10 = arith.constant 0 : index
    %get3A_11 = arith.constant 0 : index
    %get3A_12 = vector.load %arg4[%get3A_10, %get3A_11] : memref<1x1024xf32, #tpu.memory_space<vmem>>, vector<1x1024xf32>
    %mul3A = vector.broadcast %get3A_12 : vector<1x1024xf32> to vector<512x1024xf32>
    %mul3A_13 = arith.mulf %tanh3A, %mul3A : vector<512x1024xf32>
    %reduce_sum3A = arith.constant dense<0.000000e+00> : vector<512xf32>
    %reduce_sum3A_14 = vector.multi_reduction <add>, %mul3A_13, %reduce_sum3A [1] : vector<512x1024xf32> to vector<512xf32>
    %get3A_15 = arith.constant 0 : index
    %get3A_16 = arith.constant 0 : index
    %get3A_17 = memref.load %arg5[%get3A_15, %get3A_16] : memref<1x1xf32, #tpu.memory_space<smem>>
    %add3A_18 = vector.broadcast %get3A_17 : f32 to vector<512xf32>
    %add3A_19 = arith.addf %reduce_sum3A_14, %add3A_18 : vector<512xf32>
    %tanh3A_20 = math.tanh %add3A_19 : vector<512xf32>
    %swap3A = arith.constant 0 : index
    %swap3A_21 = vector.load %arg6[%swap3A] : memref<512xf32, #tpu.memory_space<vmem>>, vector<512xf32>
    tpu.vector_store %arg6[%swap3A], %tanh3A_20 {strides = array<i32>} : memref<512xf32, #tpu.memory_space<vmem>>, vector<512xf32>,
    return
  }
  func.func @transform_0(%arg0: i32) -> (i32, i32) {
    %c0_i32 = arith.constant 0 : i32
    %c0_i32_0 = arith.constant 0 : i32
    return %arg0, %c0_i32 : i32, i32
  }
  func.func @transform_1(%arg0: i32) -> (i32, i32) {
    %c0_i32 = arith.constant 0 : i32
    %c0_i32_0 = arith.constant 0 : i32
    %c0_i32_1 = arith.constant 0 : i32
    return %c0_i32, %c0_i32_0 : i32, i32
  }
  func.func @transform_2(%arg0: i32) -> (i32, i32) {
    %c0_i32 = arith.constant 0 : i32
    %c0_i32_0 = arith.constant 0 : i32
    %c0_i32_1 = arith.constant 0 : i32
    return %c0_i32, %c0_i32_0 : i32, i32
  }
  func.func @transform_3(%arg0: i32) -> (i32, i32) {
    %c0_i32 = arith.constant 0 : i32
    %c0_i32_0 = arith.constant 0 : i32
    %c0_i32_1 = arith.constant 0 : i32
    return %c0_i32, %c0_i32_0 : i32, i32
  }
  func.func @transform_4(%arg0: i32) -> (i32, i32) {
    %c0_i32 = arith.constant 0 : i32
    %c0_i32_0 = arith.constant 0 : i32
    %c0_i32_1 = arith.constant 0 : i32
    return %c0_i32, %c0_i32_0 : i32, i32
  }
  func.func @transform_5(%arg0: i32) -> i32 {
    %c0_i32 = arith.constant 0 : i32
    return %arg0 : i32
  }
}

</mosaic_0001>

<sc_bundles>
// kernel: kernel.4.cloned.1.call-start
scs
__scs_entry_jumppad:
0x0: {  	(pc) =	sbr.rel $0x88, $3  }
0x1: {  	(tag) =	ssettag $0x0;
	lr =	simm.s32 $0x1  }
0x2: {  	[smem:$0x3F9B] =	sst lr;
	_ =	strace $0xD0000000  }
0x3: {  	_ = 	snop  }
0x4: {  	_ = 	snop  }
0x5: {  	_ = 	snop  }
0x6: {  	_ = 	snop  }
0x7: {  	_ = 	snop  }
__scs_overlays_trampoline_lowered:
0x8: {  	[smem:$0x3FAA] =	sst s0  }
0x9: {  	[smem:$0x3FAB] =	sst s1  }
0xa: {  	[smem:$0x3FAC] =	sst s2  }
0xb: {  	[smem:$0x3FAD] =	sst s3  }
0xc: {  	[smem:$0x3FAE] =	sst s4  }
0xd: {  	[smem:$0x3FAF] =	sst s5  }
0xe: {  	[smem:$0x3FB0] =	sst s6  }
0xf: {  	[smem:$0x3FB1] =	sst s7  }
0x10: {  	[smem:$0x3FB2] =	sst s8  }
0x11: {  	[smem:$0x3FB3] =	sst s9;
	s0 =	simm.s32 @!p0 $0x0  }
0x12: {  	s1 =	sld [smem:$0x3F99];
	s0 =	simm.s32 @p0 $0x1  }
0x13: {  	[smem:$0x3FB4] =	sst s0;
	s0 =	simm.s32 @!p1 $0x0  }
0x14: {  	s2 =	sld [smem:$0x3F98];
	s0 =	simm.s32 @p1 $0x1  }
0x15: {  	[smem:$0x3FB5] =	sst s0;
	s0 =	simm.s32 @!p2 $0x0  }
0x16: {  	s3 =	sld [smem:$0x3FDB];
	s0 =	simm.s32 @p2 $0x1  }
0x17: {  	s4 =	simm.s32 $0x1BF5;
	[smem:$0x3FB7] =	sst s0  }
0x18: {  	s0 =	sld [smem:$0x3F9A];
	_ =	swait.ge [sflag:s4], $0x0  }
0x19: {  	s7 =	sld [smem:$0x3F9B]  }
0x1a: {  	s8 =	sadd.s32 $0xFFFFE003, lr  }
0x1b: {  	s9 =	sadd.s32 $0xFFFFFEF7, lr;
	s5 =	simm.s32 $0xFFFFFFFF;
	p2 =	slt.u32 s8, $0xFFFFF086  }
0x1c: {  	p1 =	slt.u32 s9, $0xF7A;
	s5 =	simm.s32 @!p2 $0x0  }
0x1d: {  	s5 =	simm.s32 @p1 $0x1;
	p0 =	seq.s32 s7, s2  }
0x1e: {  	s7 =	smul.u32 @!p0 $0xF7A, s2;
	p2 =	seq.s32 @!p0 s5, $0x0  }
0x1f: {  	s9 =	smul.u32 $0xF7A, s1;
	s8 =	simm.s32 @!p0 $0x1BF5;
	p2 =	por !p2, p0  }
0x20: {  	[sflag:s8] =	ssyncset.s32 @!p0 $0xFFFFF086;
	s6 =	sadd.s32 @!p0 s3, s7;
	s7 =	simm.s32 @!p0 $0x108  }
0x21: {  	s3 =	sadd.s32 s3, s9;
	s6 =	sadd.s32 @!p0 $0x88, s6;
	s7 =	simm.s32 @p2 $0x1082  }
0x22: {  	[simem:s7], [sflag:s8] =	dma.local @!p0 [hbm:s6], $0xF7A  }
0x23: {  	s9 =	sor.u32 $0xD0000000, s2;
	s6 =	simm.s32 $0x108;
	_ =	swait.ge @!p0 [sflag:s8], $0x0  }
0x24: {  	s3 =	sadd.s32 $0x88, s3;
	s6 =	simm.s32 @!p1 $0x1082;
	[sflag:s4] =	ssyncset.s32 $0xFFFFF086  }
0x25: {  	[simem:s6], [sflag:s4] =	dma.local [hbm:s3], $0xF7A  }
0x26: {  	[smem:$0x3F9B] =	sst s1;
	(tag) =	ssettag s2;
	_ =	strace s9  }
0x27: {  	s1 =	sld [smem:$0x3FAB]  }
0x28: {  	s2 =	sld [smem:$0x3FAC]  }
0x29: {  	s4 =	sld [smem:$0x3FAE]  }
0x2a: {  	p0 =	seq.s32 s5, $0x0;
	s5 =	sld [smem:$0x3FAF]  }
0x2b: {  	s6 =	sld [smem:$0x3FB0]  }
0x2c: {  	s7 =	sld [smem:$0x3FB1]  }
0x2d: {  	s3 =	simm.s32 $0x108;
	s8 =	sld [smem:$0x3FB2]  }
0x2e: {  	s3 =	simm.s32 @!p0 $0x1082;
	s9 =	sld [smem:$0x3FB3]  }
0x2f: {  	lr =	sadd.s32 s0, s3;
	s0 =	sld [smem:$0x3FAA]  }
0x30: {  	s3 =	sld [smem:$0x3FAD]  }
0x31: {  	[smem:$0x3FB6] =	sst s10  }
0x32: {  	s10 =	sld [smem:$0x3FB4];
	_ =	sdelay $0x3  }
0x33: {  	p0 =	seq.s32 s10, $0x1;
	s10 =	sld [smem:$0x3FB6];
	_ =	sdelay $0x3  }
0x34: {  	[smem:$0x3FB6] =	sst s10  }
0x35: {  	s10 =	sld [smem:$0x3FB5];
	_ =	sdelay $0x3  }
0x36: {  	p1 =	seq.s32 s10, $0x1;
	s10 =	sld [smem:$0x3FB6];
	_ =	sdelay $0x3  }
0x37: {  	[smem:$0x3FB6] =	sst s10  }
0x38: {  	s10 =	sld [smem:$0x3FB7]  }
0x39: {  	_ = 	snop;
	(pc) =	sbr.ind lr, $3  }
0x3a: {  	_ = 	snop  }
0x3b: {  	_ = 	snop  }
0x3c: {  	p2 =	seq.s32 s10, $0x1;
	s10 =	sld [smem:$0x3FB6]  }
0x3d: {  	_ =	shalt  }
0x3e: {  	_ =	shalt  }
0x3f: {  	_ =	shalt  }
0x40: {  	_ =	shalt  }
0x41: {  	_ =	shalt  }
0x42: {  	_ =	shalt  }
0x43: {  	_ =	shalt  }
0x44: {  	_ =	shalt  }
0x45: {  	_ =	shalt  }
0x46: {  	_ =	shalt  }
0x47: {  	_ =	shalt  }
0x48: {  	_ =	shalt  }
0x49: {  	_ =	shalt  }
0x4a: {  	_ =	shalt  }
0x4b: {  	_ =	shalt  }
0x4c: {  	_ =	shalt  }
0x4d: {  	_ =	shalt  }
0x4e: {  	_ =	shalt  }
0x4f: {  	_ =	shalt  }
0x50: {  	_ =	shalt  }
0x51: {  	_ =	shalt  }
0x52: {  	_ =	shalt  }
0x53: {  	_ =	shalt  }
0x54: {  	_ =	shalt  }
0x55: {  	_ =	shalt  }
0x56: {  	_ =	shalt  }
0x57: {  	_ =	shalt  }
0x58: {  	_ =	shalt  }
0x59: {  	_ =	shalt  }
0x5a: {  	_ =	shalt  }
0x5b: {  	_ =	shalt  }
0x5c: {  	_ =	shalt  }
0x5d: {  	_ =	shalt  }
0x5e: {  	_ =	shalt  }
0x5f: {  	_ =	shalt  }
0x60: {  	_ =	shalt  }
0x61: {  	_ =	shalt  }
0x62: {  	_ =	shalt  }
0x63: {  	_ =	shalt  }
0x64: {  	_ =	shalt  }
0x65: {  	_ =	shalt  }
0x66: {  	_ =	shalt  }
0x67: {  	_ =	shalt  }
0x68: {  	_ =	shalt  }
0x69: {  	_ =	shalt  }
0x6a: {  	_ =	shalt  }
0x6b: {  	_ =	shalt  }
0x6c: {  	_ =	shalt  }
0x6d: {  	_ =	shalt  }
0x6e: {  	_ =	shalt  }
0x6f: {  	_ =	shalt  }
0x70: {  	_ =	shalt  }
0x71: {  	_ =	shalt  }
0x72: {  	_ =	shalt  }
0x73: {  	_ =	shalt  }
0x74: {  	_ =	shalt  }
0x75: {  	_ =	shalt  }
0x76: {  	_ =	shalt  }
0x77: {  	_ =	shalt  }
0x78: {  	_ =	shalt  }
0x79: {  	_ =	shalt  }
0x7a: {  	_ =	shalt  }
0x7b: {  	_ =	shalt  }
0x7c: {  	_ =	shalt  }
0x7d: {  	_ =	shalt  }
0x7e: {  	_ =	shalt  }
0x7f: {  	_ =	shalt  }
0x80: {  	_ =	shalt  }
0x81: {  	_ =	shalt  }
0x82: {  	_ =	shalt  }
0x83: {  	_ =	shalt  }
0x84: {  	_ =	shalt  }
0x85: {  	_ =	shalt  }
0x86: {  	_ =	shalt  }
0x87: {  	_ =	shalt  }
.Lfunc_end0:
.L_simem_size_0:
called_computation_lowered:
.L_overlay_start_0:
0x88: {  	s2 =	sld [smem:$0x3FD9]  }
0x89: {  	s3 =	sld [smem:$0x3FFE];
	_ =	sdelay $0x1  }
0x8a: {  	s1 =	srdreg.scid  }
0x8b: {  	s0 =	sand.u32 $0x1, s1  }
0x8c: {  	s17 =	sshll.u32 s0, $0xA;
	s2 =	sadd.s32 s3, s2  }
0x8d: {  	s2 =	sadd.s32 s2, s17  }
0x8e: {  	[smem:$0x3FC2] =	sst s2  }
0x8f: {  	_ = 	snop  }
0x90: {  	s2 =	sld [smem:$0x3FC8]  }
0x91: {  	s18 =	sld [smem:$0x3FC7];
	(tm) =	ssettm $0x1  }
0x92: {  	s4 =	sld [smem:$0x3FFB];
	_ =	sdelay $0x3  }
0x93: {  	_ =	strace s4  }
0x94: {  	s4 =	sld [smem:$0x3FFC];
	_ =	sdelay $0x3  }
0x95: {  	_ =	strace s4  }
0x96: {  	s4 =	sld [smem:$0x3FFD];
	_ =	sdelay $0x3  }
0x97: {  	_ =	strace s4  }
0x98: {  	_ =	strace $0x8FFFFFFF  }
0x99: {  	s19 =	sld [smem:$0x3FDB];
	_ =	sdelay $0x1  }
0x9a: {  	s5 =	simm.s32 $_scs_section_size  }
0x9b: {  	s6 =	simm.s32 $_size__tile_overlayer_lowered;
	s7 =	simm.s32 $_tile_overlayer_lowered  }
0x9c: {  	s22 =	simm.s32 $0x1BFF;
	s21 =	sshll.u32 s7, $0x1;
	s4 =	sadd.s32 s5, s19  }
0x9d: {  	s8 =	simm.s32 $0x0;
	s20 =	sshll.u32 s6, $0x1;
	s6 =	sadd.s32 s21, s4  }
0x9e: {  	[timem:s8], [sflag:s22] =	dma.local [hbm:s6], s20  }
0x9f: {  	_ =	swait.ge [sflag:s22], s20  }
0xa0: {  	s5 =	ssub.s32 $0x0, s20;
	[sflag:s22] =	ssyncset.done $0x0  }
0xa1: {  	[sflag:s22] =	ssyncadd.s32 s5;
	_ =	sdelay $0x1  }
0xa2: {  	s23 =	simm.s32 $0x1B8B  }
0xa3: {  	_ =	swait.ge [sflag:s23], $0x1  }
0xa4: {  	[sflag:s23] =	ssyncset.done $0x0  }
0xa5: {  	s25 =	simm.s32 $0x1B8E;
	s24 =	sld [smem:$0x3FFE];
	[sflag:s23] =	ssyncadd.s32 $0xFFFFFFFF  }
0xa6: {  	s26 =	simm.s32 $execute0_lowered;
	[smem:$0x3FD2] =	sst s25  }
0xa7: {  	s6 =	sshll.u32 s26, $0x1;
	_ =	strace $0x80000046;
	[dreg:$0x1] =	wrdreg $0xFFFFFFFF  }
0xa8: {  	s28 =	simm.s32 $_size_execute0_lowered;
	s4 =	sadd.s32 s4, s6;
	[dreg:$0x0] =	wrdreg $0x0  }
0xa9: {  	s6 =	sshll.u32 s28, $0x1;
	[dreg:$0x2] =	wrdreg s4  }
0xaa: {  	[dreg:$0x3] =	wrdreg s6  }
0xab: {  	[dreg:$0x4] =	wrdreg $0xC0  }
0xac: {  	_ =	task [dreg:s8], $0x5FFFF  }
0xad: {  	[dreg:$0x1] =	wrdreg $0xFFFFFFFF  }
0xae: {  	[dreg:$0x0] =	wrdreg $0x60  }
0xaf: {  	[dreg:$0x2] =	wrdreg s2  }
0xb0: {  	[dreg:$0x3] =	wrdreg s18  }
0xb1: {  	[dreg:$0x4] =	wrdreg s24  }
0xb2: {  	[dreg:$0x5] =	wrdreg $0x9  }
0xb3: {  	_ =	task.clear_ibuf [dreg:s8], $0x6FFFF;
	_ =	strace $0x90000046  }
0xb4: {  	s29 =	simm.s32 $0x9;
	_ =	strace $0x80000048  }
0xb5: {  	_ =	swait.ge [sflag:s29], $0x1  }
0xb6: {  	[sflag:s29] =	ssyncadd.s32 $0xFFFFFFFF  }
0xb7: {  	_ =	strace $0x90000048  }
0xb8: {  	_ =	sfence  }
0xb9: {  	s30 =	sld [smem:$0x0];
	_ =	sdelay $0x2  }
0xba: {  	s31 =	sshll.u32 s1, $0xD;
	s1 =	sshrl.u32 s1, $0x2  }
0xbb: {  	s3 =	sand.u32 $0x4000, s31;
	s1 =	sadd.s32 s1, s30  }
0xbc: {  	s0 =	sor.u32 s3, s0;
	s1 =	sshll.u32 s1, $0x11  }
0xbd: {  	s0 =	sor.u32 s1, s0  }
0xbe: {  	s0 =	sadd.s32 $0x8F2B, s0  }
0xbf: {  	[sflag:s0] =	ssyncadd.remote.s32 $0x1  }
0xc0: {  	_ =	sfence.sel $0xFFFF  }
0xc1: {  	[dreg:$0x0] =	wrdreg $0xFFFFFFFF;
	(pc) =	sbr.abs _section_cstart, $3  }
0xc2: {  	[dreg:$0x1] =	wrdreg $0xFFFFFFFF  }
0xc3: {  	_ =	task.clear_ibuf [dreg:s8], $0x2FFFF;
	_ =	strace $0x9FFFFFFF  }
0xc4: {  	(tm) =	ssettm $0x7FFFFFFF  }
0xc5: {  	_ =	shalt  }
tec
execute0_lowered:
.L_overlay_start_1:
0x0: {  	(tag) =	ssettag $0x1  }
0x1: {  	s3 =	rddreg [dreg:$0x0]  }
0x2: {  	s4 =	rddreg [dreg:$0x1]  }
0x3: {  	s5 =	rddreg [dreg:$0x2]  }
0x4: {  	s0 =	rddreg [dreg:$0x3];
	s6 =	srdreg.scid  }
0x5: {  	s2 =	simm.s32 $0x0;
	s1 =	stileid.u32;
	s11 =	simm.s32 $0x1  }
0x6: {  	s12 =	simm.s32 $0x2;
	s13 =	simm.s32 $0x1000;
	s14 =	simm.s32 $0x3  }
0x7: {  	s15 =	simm.s32 $0x0;
	s6 =	sand.u32 $0x1, s6;
	[smem:$0x7FF] =	sst s2  }
0x8: {  	s7 =	sshll.u32 s1, $0x6;
	s8 =	sshll.u32 s6, $0x5;
	s6 =	ssub.s32 $0x2, s6  }
0x9: {  	_ =	strace $0x80000047;
	s8 =	sor.u32 s8, s7;
	s10 =	sshrl.u32 s6, $0x1  }
0xa: {  	s7 =	sand.u32 $0x380, s7;
	s9 =	sshll.u32 s8, $0x5;
	s6 =	ssub.s32 s6, s10  }
0xb: {  	s3 =	sadd.s32 s3, s7;
	s4 =	sadd.s32 s4, s7;
	s7 =	sand.u32 $0x60, s8  }
0xc: {  	v1 =	vlaneseq.u32;
	s8 =	simm.s32 $0x400;
	s10 =	simm.s32 $0x800;
	s5 =	sadd.s32 s9, s5  }
0xd: {  	v0 =	vimm.f32 $0.0e+00;
	v1 =	vmul.u32 $0x80, v1;
	s6 =	smax.u32 s6, $0x1;
	s9 =	simm.s32 $0x2000;
	s5 =	sadd.s32 $0xC00, s5  }
.LBB2_1:
0xe: {  	[tilespmem:s2], [sflag:$0x1] =	stream.strided.gather [hbm4b:s3+s8], $0x800, s9, s8, $0x38;
	[tilespmem:$0x3000] =	vst v63  }
0xf: {  	_ = 	snop  }
0x10: {  	[tilespmem:s10], [sflag:$0x2] =	stream.strided.gather [hbm4b:s4+s8], $0x800, s9, s8, $0x38;
	[tilespmem:$0x3000] =	vst v63  }
0x11: {  	_ =	swait.ge [sflag:s11], $0x800  }
0x12: {  	[sflag:s11] =	ssyncset.done $0x0  }
0x13: {  	[sflag:s11] =	ssyncadd.s32 $0xFFFFF800  }
0x14: {  	_ =	swait.ge [sflag:s12], $0x800  }
0x15: {  	s16 =	sand.u32 $0x1800, s2;
	s17 =	sand.u32 $0x380, s2;
	[sflag:s12] =	ssyncset.done $0x0  }
0x16: {  	s20 =	sor.u32 s17, s16;
	[sflag:s12] =	ssyncadd.s32 $0xFFFFF800  }
0x17: {  	[tilespmem:s20+$0x1000] =	vst v0  }
0x18: {  	[tilespmem:s20+$0x1470] =	vst v0  }
0x19: {  	[tilespmem:s20+$0x1460] =	vst v0  }
0x1a: {  	[tilespmem:s20+$0x1450] =	vst v0  }
0x1b: {  	[tilespmem:s20+$0x1440] =	vst v0  }
0x1c: {  	s21 =	sadd.s32 $0x0, s7;
	s18 =	simm.s32 $0x0;
	[tilespmem:s20+$0x1430] =	vst v0  }
0x1d: {  	s19 =	simm.s32 $0x0;
	s17 =	simm.s32 $0x1;
	s16 =	simm.s32 $0x0;
	[tilespmem:s20+$0x1420] =	vst v0  }
.LBB2_2:
0x1e: {  	p0 =	sne.s32 s17, $0x1F;
	[tilespmem:s20+$0x1410] =	vst v0;
	v2 =	vmov s21  }
0x1f: {  	[tilespmem:s20+$0x1400] =	vst v0;
	v2 =	vand.u32 $0x7F, v2  }
0x20: {  	[tilespmem:s20+$0x1070] =	vst v0;
	v2 =	vbroadcast v2, $0x0  }
0x21: {  	[tilespmem:s20+$0x1060] =	vst v0  }
0x22: {  	[tilespmem:s20+$0x1050] =	vst v0;
	v2 =	vor.u32 v1, v2  }
0x23: {  	[tilespmem:s20+$0x1040] =	vst v0  }
0x24: {  	[tilespmem:s20+$0x1030] =	vst v0  }
0x25: {  	[tilespmem:s20+$0x1020] =	vst v0  }
0x26: {  	[tilespmem:s20+$0x1010] =	vst v0  }
0x27: {  	v3 =	vld.idx.msk [tilespmem:v2+s2+$0x0], $0xffff  }
0x28: {  	v2 =	vld.idx.msk [tilespmem:v2+s10+$0x0], $0xffff;
	_ =	sdelay $0x3  }
0x29: {  	v4 =	vmov s16;
	s16 =	smov.u32 s17  }
0x2a: {  	v5 =	vshll.u32 v4, $0x8;
	v6 =	vshll.u32 v3, $0x3  }
0x2b: {  	v4 =	vshll.u32 v4, $0x7;
	v5 =	vand.u32 $0x1800, v5;
	v6 =	vand.u32 $0xFFFFFC00, v6  }
0x2c: {  	v4 =	vand.u32 $0x380, v4;
	v5 =	vadd.s32 v5, v6  }
0x2d: {  	v3 =	vand.u32 $0x7F, v3;
	v4 =	vor.u32 v4, v5  }
0x2e: {  	v3 =	vor.u32 v3, v4;
	_ =	sdelay $0x2  }
0x2f: {  	s18 =	sadd.s32 $0x80, s18;
	s19 =	sadd.s32 $0x100, s19  }
0x30: {  	s21 =	sand.u32 $0x380, s18;
	s20 =	sand.u32 $0x1800, s19  }
0x31: {  	s20 =	sor.u32 s21, s20;
	[tilespmem:v3+s13+$0x0] =	vst.idx.msk $0xffff, v2  }
0x32: {  	[tilespmem:s20+$0x1000] =	vst v0  }
0x33: {  	[tilespmem:s20+$0x1470] =	vst v0  }
.Ltmp0:
0x34: {  	[tilespmem:s20+$0x1460] =	vst v0;
	(pc) =	sbr.rel @p0 .LBB2_2-.Ltmp0, $4  }
0x35: {  	[tilespmem:s20+$0x1450] =	vst v0  }
0x36: {  	[tilespmem:s20+$0x1440] =	vst v0  }
0x37: {  	[tilespmem:s20+$0x1430] =	vst v0  }
0x38: {  	s17 =	sadd.s32 $0x1, s17;
	s21 =	sadd.s32 s16, s7;
	[tilespmem:s20+$0x1420] =	vst v0  }
0x39: {  	[tilespmem:s20+$0x1410] =	vst v0;
	v2 =	vmov s21  }
0x3a: {  	[tilespmem:s20+$0x1400] =	vst v0;
	v2 =	vand.u32 $0x7F, v2  }
0x3b: {  	[tilespmem:s20+$0x1070] =	vst v0;
	v2 =	vbroadcast v2, $0x0  }
0x3c: {  	[tilespmem:s20+$0x1060] =	vst v0  }
0x3d: {  	[tilespmem:s20+$0x1050] =	vst v0;
	v2 =	vor.u32 v1, v2  }
0x3e: {  	[tilespmem:s20+$0x1040] =	vst v0  }
0x3f: {  	[tilespmem:s20+$0x1030] =	vst v0  }
0x40: {  	[tilespmem:s20+$0x1020] =	vst v0  }
0x41: {  	[tilespmem:s20+$0x1010] =	vst v0  }
0x42: {  	v3 =	vld.idx.msk [tilespmem:v2+s2+$0x0], $0xffff;
	_ =	sdelay $0x3  }
0x43: {  	v4 =	vmov s16  }
0x44: {  	v5 =	vshll.u32 v4, $0x8;
	v6 =	vshll.u32 v3, $0x3  }
0x45: {  	v4 =	vshll.u32 v4, $0x7;
	v5 =	vand.u32 $0x1800, v5;
	v6 =	vand.u32 $0xFFFFFC00, v6  }
0x46: {  	v4 =	vand.u32 $0x380, v4;
	v5 =	vadd.s32 v5, v6  }
0x47: {  	v3 =	vand.u32 $0x7F, v3;
	v4 =	vor.u32 v4, v5  }
0x48: {  	v2 =	vld.idx.msk [tilespmem:v2+s10+$0x0], $0xffff;
	v3 =	vor.u32 v3, v4;
	_ =	sdelay $0x2  }
0x49: {  	s15 =	sadd.s32 $0x1, s15  }
0x4a: {  	p0 =	sne.s32 s15, s6  }
.Ltmp1:
0x4b: {  	[tilespmem:v3+s13+$0x0] =	vst.idx.msk $0xffff, v2;
	(pc) =	sbr.rel @p0 .LBB2_1-.Ltmp1, $4  }
0x4c: {  	[hbm4b:s5+s2] =	stream.linear.scatter [tilespmem:s13], [sflag:$0x3], $0x2000, $0x38;
	[tilespmem:$0x3000] =	vst v63  }
0x4d: {  	_ =	swait.ge [sflag:s14], $0x2000  }
0x4e: {  	[sflag:s14] =	ssyncset.done $0x0  }
0x4f: {  	[sflag:s14] =	ssyncadd.s32 $0xFFFFE000  }
0x50: {  	_ =	sfence.sel $0x180000  }
0x51: {  	[bflag:$0x0] =	sbarrier.arrive $0xFFFF  }
0x52: {  	p0 =	sne.s32 s1, $0x0;
	_ =	strace $0x90000047  }
0x53: {  	s0 =	sadd.s32 @!p0 $0x100000, s0;
	[bflag:$0x2] =	sbarrier.arrive $0xFFFF  }
0x54: {  	[sflag:s0] =	ssyncadd.tile.s32 @!p0 $0x1;
	_ =	shalt  }
.Lfunc_end2:
_tile_overlayer_lowered:
.L_overlay_start_2:
0x55: {  	(tag) =	ssettag $0x2  }
0x56: {  	s0 =	rddreg [dreg:$0x0];
	s2 =	stileid.u32  }
0x57: {  	s1 =	rddreg [dreg:$0x1];
	p0 =	sne.s32 s2, $0x0  }
0x58: {  	s3 =	rddreg [dreg:$0x2];
	[bflag:$0x3] =	sbarrier.arrive $0xFFFF;
	s2 =	simm.s32 @!p0 $0x1C03  }
0x59: {  	[timem:s3], [sflag:s2] =	dma.local @!p0 [hbm:s0], s1  }
0x5a: {  	s0 =	simm.s32 @!p0 $0x3  }
0x5b: {  	_ =	swait.ge @!p0 [sflag:s0], s1  }
0x5c: {  	s1 =	ssub.s32 @!p0 $0x0, s1;
	[sflag:s0] =	ssyncset.done @!p0 $0x0  }
0x5d: {  	[sflag:s0] =	ssyncadd.s32 @!p0 s1  }
0x5e: {  	[bflag:$0x3] =	sbarrier.arrive $0xFFFF  }
0x5f: {  	_ =	shalt  }

</sc_bundles>
